<compile_context>
chip_gen: v7x
topology: tpu7x:2x2x1
jax: 0.10.2.dev20260603
libtpu: 0.0.44.dev20260713+nightly
codegen_flags: <defaults>
</compile_context>

<pallas_src>
import functools

import jax
import jax.numpy as jnp
from jax import lax
from jax.experimental import pallas as pl
from jax.experimental.pallas import tpu as pltpu
from jax.experimental.pallas import tpu_sc as plsc
from jax._src.pallas import mpmd as _mpmd


@functools.lru_cache(maxsize=None)
def _make_copy(capacity: int, dims: int):
  blk = 16384
  assert capacity % blk == 0

  def body(x_ref, o_ref):
    o_ref[...] = x_ref[...]

  return pl.pallas_call(
      body,
      grid=(capacity // blk,),
      in_specs=[pl.BlockSpec((blk, dims), lambda i: (i, 0))],
      out_specs=pl.BlockSpec((blk, dims), lambda i: (i, 0)),
      out_shape=jax.ShapeDtypeStruct((capacity, dims), jnp.float32),
  )


@functools.lru_cache(maxsize=None)
def _make_scatter(capacity: int, n: int, dims: int):
  info = plsc.get_sparse_core_info()
  nc, ns, lanes = info.num_cores, info.num_subcores, info.num_lanes
  nw = nc * ns
  assert n % nw == 0, (n, nw)
  rows_per_w = n // nw
  assert rows_per_w % lanes == 0 and rows_per_w <= 128
  mesh = plsc.VectorSubcoreMesh(core_axis_name="c", subcore_axis_name="s")

  def body(storage_ref, vals_ref, ptr_ref, out_ref, idx_v, vals_v, ptr_v,
           sem_v, sem_p, sem_s):
    del storage_ref
    wid = lax.axis_index("s") * nc + lax.axis_index("c")
    base = wid * rows_per_w
    npipe = 4
    hw = rows_per_w // npipe
    vals_dma = [
        pltpu.async_copy(
            vals_ref.at[pl.ds(base + h * hw, hw)],
            vals_v.at[pl.ds(h * hw, hw)], sem_v)
        for h in range(npipe)
    ]
    ptr_dma = pltpu.async_copy(ptr_ref, ptr_v, sem_p)
    ptr_dma.wait()
    p = ptr_v[...]
    for h in range(npipe):
      for i in range(hw // lanes):
        off = base + h * hw + i * lanes
        idx_v[h, pl.ds(i * lanes, lanes)] = lax.rem(
            p + off + lax.iota(jnp.int32, lanes), capacity
        )
    scat = []
    for h in range(npipe):
      vals_dma[h].wait()
      scat.append(
          pltpu.async_copy(
              vals_v.at[pl.ds(h * hw, hw)],
              out_ref.at[idx_v.at[h]], sem_s))
    for d in scat:
      d.wait()

  return _mpmd._mpmd_map(
      [(mesh, body)],
      out_types=jax.ShapeDtypeStruct((capacity, dims), jnp.float32),
      input_output_aliases={0: 0},
      scratch_types=[
          pltpu.VMEM((4, rows_per_w // 4), jnp.int32),
          pltpu.VMEM((rows_per_w, dims), jnp.float32),
          pltpu.VMEM((16,), jnp.int32),
          pltpu.SemaphoreType.DMA,
          pltpu.SemaphoreType.DMA,
          pltpu.SemaphoreType.DMA,
      ],
      name="fifo_scatter",
  )


def kernel(storage, vals, pointer):
  capacity, dims = storage.shape
  n = vals.shape[0]
  ptr_vec = jnp.broadcast_to(jnp.asarray(pointer, jnp.int32), (16,))
  copied = _make_copy(capacity, dims)(storage)
  return _make_scatter(capacity, n, dims)(copied, vals, ptr_vec)

# --- scband reference (transcript-rebuilt; emitter-appended) ---
"""Pipeline reference for scband-fifoqueue-17386027614640 (READ-ONLY COPY).

The authoritative reference and input builder live on the scoring server;
editing this copy changes nothing except your own understanding.
"""

import jax, jax.numpy as jnp
import numpy as np

CAPACITY = 65536
DIMS = 128
BATCH = 4096


def setup_inputs(seed: int = 0) -> dict:
    key = jax.random.key(seed)
    k1, k2 = jax.random.split(key)
    # storage simulates a partially-filled FIFO queue of cached item embeddings
    storage = jax.random.normal(k1, (CAPACITY, DIMS), dtype=jnp.float32)
    vals = jax.random.normal(k2, (BATCH, DIMS), dtype=jnp.float32)
    pointer = 64000  # next_available_pointer; 64000 + 4096 > 65536 so the write wraps
    return {"storage": storage, "vals": vals, "pointer": pointer}


def reference(storage, vals, pointer):
    # Faithful JAX translation of FIFOQueue.enqueue_many: a circular-buffer
    # scatter-overwrite of `vals` into `storage` starting at `pointer`,
    # wrapping around capacity (the two-slice assign branches collapse to a
    # single modular scatter with overwrite semantics).
    capacity = storage.shape[0]
    n = vals.shape[0]
    # vals = vals[-capacity:] is a no-op here since n <= capacity
    idx = (pointer + jnp.arange(n, dtype=jnp.int32)) % capacity
    new_storage = storage.at[idx].set(vals)
    return new_storage

if __name__ == "__main__":
    import jax
    _d = setup_inputs()
    print(jax.jit(kernel)(*tuple(_d.values())))

</pallas_src>

<mosaic_0001>
#map = affine_map<(d0, d1) -> (0, 0)>
#map1 = affine_map<(d0, d1) -> (0)>
module attributes {stable_mosaic.version = 14 : i64} {
  func.func @fifo_scatter(%arg0: i32, %arg1: i32, %arg2: memref<65536x128xf32, #tpu.memory_space<hbm>>, %arg3: memref<4096x128xf32, #tpu.memory_space<hbm>>, %arg4: memref<16xi32, #tpu.memory_space<hbm>>, %arg5: memref<65536x128xf32, #tpu.memory_space<hbm>>, %arg6: memref<4x32xi32, #tpu.memory_space<vmem>>, %arg7: memref<128x128xf32, #tpu.memory_space<vmem>>, %arg8: memref<16xi32, #tpu.memory_space<vmem>>, %arg9: memref<!tpu.dma_semaphore, #tpu.memory_space<semaphore_mem>>, %arg10: memref<!tpu.dma_semaphore, #tpu.memory_space<semaphore_mem>>, %arg11: memref<!tpu.dma_semaphore, #tpu.memory_space<semaphore_mem>>) attributes {dimension_semantics = [#tpu.dimension_semantics<core_parallel>, #tpu.dimension_semantics<subcore_parallel>], iteration_bounds = array<i64: 2, 16>, scalar_prefetch = 0 : i64, scratch_operands = 6 : i64, tpu.core_type = #tpu.core_type<sc_vector_subcore>, window_params = [{transform_indices = #map}, {transform_indices = #map}, {transform_indices = #map1}, {transform_indices = #map}]} {
    %mul3A = arith.constant 2 : i32
    %mul3A_0 = arith.muli %arg1, %mul3A : i32
    %add3A = arith.addi %mul3A_0, %arg0 : i32
    %mul3A_1 = arith.constant 128 : i32
    %mul3A_2 = arith.muli %add3A, %mul3A_1 : i32
    %add3A_3 = arith.constant 0 : i32
    %add3A_4 = arith.addi %mul3A_2, %add3A_3 : i32
    %dma_start3A = arith.constant 0 : i32
    %dma_start3A_5 = arith.constant 0 : i32
    %dma_start3A_6 = tpu.memref_slice %arg7[%dma_start3A, %dma_start3A_5] : memref<128x128xf32, #tpu.memory_space<vmem>> -> memref<32x128xf32, #tpu.memory_space<vmem>>
    %dma_start3A_7 = arith.constant 0 : i32
    %dma_start3A_8 = tpu.memref_slice %arg3[%add3A_4, %dma_start3A_7] : memref<4096x128xf32, #tpu.memory_space<hbm>> -> memref<32x128xf32, #tpu.memory_space<hbm>>
    %dma_start3A_9 = arith.constant 0 : i32
    %dma_start3A_10 = arith.constant 0 : i32
    %dma_start3A_11 = tpu.memref_slice %arg7[%dma_start3A_9, %dma_start3A_10] : memref<128x128xf32, #tpu.memory_space<vmem>> -> memref<32x128xf32, #tpu.memory_space<vmem>>
    %dma_start3A_12 = arith.constant 0 : i32
    %dma_start3A_13 = tpu.memref_slice %arg3[%add3A_4, %dma_start3A_12] : memref<4096x128xf32, #tpu.memory_space<hbm>> -> memref<32x128xf32, #tpu.memory_space<hbm>>
    tpu.enqueue_dma source(%dma_start3A_13 : memref<32x128xf32, #tpu.memory_space<hbm>>) target(%dma_start3A_11 : memref<32x128xf32, #tpu.memory_space<vmem>>) target_semaphore(%arg9 : memref<!tpu.dma_semaphore, #tpu.memory_space<semaphore_mem>>)
    %add3A_14 = arith.constant 32 : i32
    %add3A_15 = arith.addi %mul3A_2, %add3A_14 : i32
    %dma_start3A_16 = arith.constant 32 : i32
    %dma_start3A_17 = arith.constant 0 : i32
    %dma_start3A_18 = tpu.memref_slice %arg7[%dma_start3A_16, %dma_start3A_17] : memref<128x128xf32, #tpu.memory_space<vmem>> -> memref<32x128xf32, #tpu.memory_space<vmem>>
    %dma_start3A_19 = arith.constant 0 : i32
    %dma_start3A_20 = tpu.memref_slice %arg3[%add3A_15, %dma_start3A_19] : memref<4096x128xf32, #tpu.memory_space<hbm>> -> memref<32x128xf32, #tpu.memory_space<hbm>>
    %dma_start3A_21 = arith.constant 32 : i32
    %dma_start3A_22 = arith.constant 0 : i32
    %dma_start3A_23 = tpu.memref_slice %arg7[%dma_start3A_21, %dma_start3A_22] : memref<128x128xf32, #tpu.memory_space<vmem>> -> memref<32x128xf32, #tpu.memory_space<vmem>>
    %dma_start3A_24 = arith.constant 0 : i32
    %dma_start3A_25 = tpu.memref_slice %arg3[%add3A_15, %dma_start3A_24] : memref<4096x128xf32, #tpu.memory_space<hbm>> -> memref<32x128xf32, #tpu.memory_space<hbm>>
    tpu.enqueue_dma source(%dma_start3A_25 : memref<32x128xf32, #tpu.memory_space<hbm>>) target(%dma_start3A_23 : memref<32x128xf32, #tpu.memory_space<vmem>>) target_semaphore(%arg9 : memref<!tpu.dma_semaphore, #tpu.memory_space<semaphore_mem>>)
    %add3A_26 = arith.constant 64 : i32
    %add3A_27 = arith.addi %mul3A_2, %add3A_26 : i32
    %dma_start3A_28 = arith.constant 64 : i32
    %dma_start3A_29 = arith.constant 0 : i32
    %dma_start3A_30 = tpu.memref_slice %arg7[%dma_start3A_28, %dma_start3A_29] : memref<128x128xf32, #tpu.memory_space<vmem>> -> memref<32x128xf32, #tpu.memory_space<vmem>>
    %dma_start3A_31 = arith.constant 0 : i32
    %dma_start3A_32 = tpu.memref_slice %arg3[%add3A_27, %dma_start3A_31] : memref<4096x128xf32, #tpu.memory_space<hbm>> -> memref<32x128xf32, #tpu.memory_space<hbm>>
    %dma_start3A_33 = arith.constant 64 : i32
    %dma_start3A_34 = arith.constant 0 : i32
    %dma_start3A_35 = tpu.memref_slice %arg7[%dma_start3A_33, %dma_start3A_34] : memref<128x128xf32, #tpu.memory_space<vmem>> -> memref<32x128xf32, #tpu.memory_space<vmem>>
    %dma_start3A_36 = arith.constant 0 : i32
    %dma_start3A_37 = tpu.memref_slice %arg3[%add3A_27, %dma_start3A_36] : memref<4096x128xf32, #tpu.memory_space<hbm>> -> memref<32x128xf32, #tpu.memory_space<hbm>>
    tpu.enqueue_dma source(%dma_start3A_37 : memref<32x128xf32, #tpu.memory_space<hbm>>) target(%dma_start3A_35 : memref<32x128xf32, #tpu.memory_space<vmem>>) target_semaphore(%arg9 : memref<!tpu.dma_semaphore, #tpu.memory_space<semaphore_mem>>)
    %add3A_38 = arith.constant 96 : i32
    %add3A_39 = arith.addi %mul3A_2, %add3A_38 : i32
    %dma_start3A_40 = arith.constant 96 : i32
    %dma_start3A_41 = arith.constant 0 : i32
    %dma_start3A_42 = tpu.memref_slice %arg7[%dma_start3A_40, %dma_start3A_41] : memref<128x128xf32, #tpu.memory_space<vmem>> -> memref<32x128xf32, #tpu.memory_space<vmem>>
    %dma_start3A_43 = arith.constant 0 : i32
    %dma_start3A_44 = tpu.memref_slice %arg3[%add3A_39, %dma_start3A_43] : memref<4096x128xf32, #tpu.memory_space<hbm>> -> memref<32x128xf32, #tpu.memory_space<hbm>>
    %dma_start3A_45 = arith.constant 96 : i32
    %dma_start3A_46 = arith.constant 0 : i32
    %dma_start3A_47 = tpu.memref_slice %arg7[%dma_start3A_45, %dma_start3A_46] : memref<128x128xf32, #tpu.memory_space<vmem>> -> memref<32x128xf32, #tpu.memory_space<vmem>>
    %dma_start3A_48 = arith.constant 0 : i32
    %dma_start3A_49 = tpu.memref_slice %arg3[%add3A_39, %dma_start3A_48] : memref<4096x128xf32, #tpu.memory_space<hbm>> -> memref<32x128xf32, #tpu.memory_space<hbm>>
    tpu.enqueue_dma source(%dma_start3A_49 : memref<32x128xf32, #tpu.memory_space<hbm>>) target(%dma_start3A_47 : memref<32x128xf32, #tpu.memory_space<vmem>>) target_semaphore(%arg9 : memref<!tpu.dma_semaphore, #tpu.memory_space<semaphore_mem>>)
    tpu.enqueue_dma source(%arg4 : memref<16xi32, #tpu.memory_space<hbm>>) target(%arg8 : memref<16xi32, #tpu.memory_space<vmem>>) target_semaphore(%arg10 : memref<!tpu.dma_semaphore, #tpu.memory_space<semaphore_mem>>)
    tpu.wait_dma2 semaphore(%arg10 : memref<!tpu.dma_semaphore, #tpu.memory_space<semaphore_mem>>) src(%arg4 : memref<16xi32, #tpu.memory_space<hbm>>) dst(%arg8 : memref<16xi32, #tpu.memory_space<vmem>>)
    %get3A = arith.constant 0 : index
    %get3A_50 = tpu.vector_load %arg8[%get3A] {strides = array<i32>} : memref<16xi32, #tpu.memory_space<vmem>>, vector<16xi32>,
    %get3A_51 = vector.shape_cast %get3A_50 : vector<16xi32> to vector<16xi32>
    %add3A_52 = arith.constant 0 : i32
    %add3A_53 = arith.addi %mul3A_2, %add3A_52 : i32
    %add3A_54 = arith.constant 0 : i32
    %add3A_55 = arith.addi %add3A_53, %add3A_54 : i32
    %add3A_56 = vector.broadcast %add3A_55 : i32 to vector<16xi32>
    %add3A_57 = arith.addi %get3A_51, %add3A_56 : vector<16xi32>
    %iota3A = tpu.iota {dimensions = array<i32: 0>} : vector<16xi32>
    %add3A_58 = arith.addi %add3A_57, %iota3A : vector<16xi32>
    %rem3A = arith.constant 65536 : i32
    %rem3A_59 = vector.broadcast %rem3A : i32 to vector<16xi32>
    %rem3A_60 = arith.remsi %add3A_58, %rem3A_59 : vector<16xi32>
    %swap3A = arith.constant 0 : i32
    %swap3A_61 = arith.index_cast %swap3A : i32 to index
    %swap3A_62 = arith.constant 0 : index
    %swap3A_63 = tpu.vector_load %arg6[%swap3A_61, %swap3A_62] {strides = array<i32>} : memref<4x32xi32, #tpu.memory_space<vmem>>, vector<1x16xi32>,
    %swap3A_64 = vector.shape_cast %swap3A_63 : vector<1x16xi32> to vector<16xi32>
    %swap3A_65 = vector.shape_cast %rem3A_60 : vector<16xi32> to vector<1x16xi32>
    tpu.vector_store %arg6[%swap3A_61, %swap3A_62], %swap3A_65 {strides = array<i32>} : memref<4x32xi32, #tpu.memory_space<vmem>>, vector<1x16xi32>,
    %add3A_66 = arith.constant 0 : i32
    %add3A_67 = arith.addi %mul3A_2, %add3A_66 : i32
    %add3A_68 = arith.constant 16 : i32
    %add3A_69 = arith.addi %add3A_67, %add3A_68 : i32
    %add3A_70 = vector.broadcast %add3A_69 : i32 to vector<16xi32>
    %add3A_71 = arith.addi %get3A_51, %add3A_70 : vector<16xi32>
    %iota3A_72 = tpu.iota {dimensions = array<i32: 0>} : vector<16xi32>
    %add3A_73 = arith.addi %add3A_71, %iota3A_72 : vector<16xi32>
    %rem3A_74 = arith.constant 65536 : i32
    %rem3A_75 = vector.broadcast %rem3A_74 : i32 to vector<16xi32>
    %rem3A_76 = arith.remsi %add3A_73, %rem3A_75 : vector<16xi32>
    %swap3A_77 = arith.constant 0 : i32
    %swap3A_78 = arith.index_cast %swap3A_77 : i32 to index
    %swap3A_79 = arith.constant 16 : index
    %swap3A_80 = tpu.vector_load %arg6[%swap3A_78, %swap3A_79] {strides = array<i32>} : memref<4x32xi32, #tpu.memory_space<vmem>>, vector<1x16xi32>,
    %swap3A_81 = vector.shape_cast %swap3A_80 : vector<1x16xi32> to vector<16xi32>
    %swap3A_82 = vector.shape_cast %rem3A_76 : vector<16xi32> to vector<1x16xi32>
    tpu.vector_store %arg6[%swap3A_78, %swap3A_79], %swap3A_82 {strides = array<i32>} : memref<4x32xi32, #tpu.memory_space<vmem>>, vector<1x16xi32>,
    %add3A_83 = arith.constant 32 : i32
    %add3A_84 = arith.addi %mul3A_2, %add3A_83 : i32
    %add3A_85 = arith.constant 0 : i32
    %add3A_86 = arith.addi %add3A_84, %add3A_85 : i32
    %add3A_87 = vector.broadcast %add3A_86 : i32 to vector<16xi32>
    %add3A_88 = arith.addi %get3A_51, %add3A_87 : vector<16xi32>
    %iota3A_89 = tpu.iota {dimensions = array<i32: 0>} : vector<16xi32>
    %add3A_90 = arith.addi %add3A_88, %iota3A_89 : vector<16xi32>
    %rem3A_91 = arith.constant 65536 : i32
    %rem3A_92 = vector.broadcast %rem3A_91 : i32 to vector<16xi32>
    %rem3A_93 = arith.remsi %add3A_90, %rem3A_92 : vector<16xi32>
    %swap3A_94 = arith.constant 1 : i32
    %swap3A_95 = arith.index_cast %swap3A_94 : i32 to index
    %swap3A_96 = arith.constant 0 : index
    %swap3A_97 = tpu.vector_load %arg6[%swap3A_95, %swap3A_96] {strides = array<i32>} : memref<4x32xi32, #tpu.memory_space<vmem>>, vector<1x16xi32>,
    %swap3A_98 = vector.shape_cast %swap3A_97 : vector<1x16xi32> to vector<16xi32>
    %swap3A_99 = vector.shape_cast %rem3A_93 : vector<16xi32> to vector<1x16xi32>
    tpu.vector_store %arg6[%swap3A_95, %swap3A_96], %swap3A_99 {strides = array<i32>} : memref<4x32xi32, #tpu.memory_space<vmem>>, vector<1x16xi32>,
    %add3A_100 = arith.constant 32 : i32
    %add3A_101 = arith.addi %mul3A_2, %add3A_100 : i32
    %add3A_102 = arith.constant 16 : i32
    %add3A_103 = arith.addi %add3A_101, %add3A_102 : i32
    %add3A_104 = vector.broadcast %add3A_103 : i32 to vector<16xi32>
    %add3A_105 = arith.addi %get3A_51, %add3A_104 : vector<16xi32>
    %iota3A_106 = tpu.iota {dimensions = array<i32: 0>} : vector<16xi32>
    %add3A_107 = arith.addi %add3A_105, %iota3A_106 : vector<16xi32>
    %rem3A_108 = arith.constant 65536 : i32
    %rem3A_109 = vector.broadcast %rem3A_108 : i32 to vector<16xi32>
    %rem3A_110 = arith.remsi %add3A_107, %rem3A_109 : vector<16xi32>
    %swap3A_111 = arith.constant 1 : i32
    %swap3A_112 = arith.index_cast %swap3A_111 : i32 to index
    %swap3A_113 = arith.constant 16 : index
    %swap3A_114 = tpu.vector_load %arg6[%swap3A_112, %swap3A_113] {strides = array<i32>} : memref<4x32xi32, #tpu.memory_space<vmem>>, vector<1x16xi32>,
    %swap3A_115 = vector.shape_cast %swap3A_114 : vector<1x16xi32> to vector<16xi32>
    %swap3A_116 = vector.shape_cast %rem3A_110 : vector<16xi32> to vector<1x16xi32>
    tpu.vector_store %arg6[%swap3A_112, %swap3A_113], %swap3A_116 {strides = array<i32>} : memref<4x32xi32, #tpu.memory_space<vmem>>, vector<1x16xi32>,
    %add3A_117 = arith.constant 64 : i32
    %add3A_118 = arith.addi %mul3A_2, %add3A_117 : i32
    %add3A_119 = arith.constant 0 : i32
    %add3A_120 = arith.addi %add3A_118, %add3A_119 : i32
    %add3A_121 = vector.broadcast %add3A_120 : i32 to vector<16xi32>
    %add3A_122 = arith.addi %get3A_51, %add3A_121 : vector<16xi32>
    %iota3A_123 = tpu.iota {dimensions = array<i32: 0>} : vector<16xi32>
    %add3A_124 = arith.addi %add3A_122, %iota3A_123 : vector<16xi32>
    %rem3A_125 = arith.constant 65536 : i32
    %rem3A_126 = vector.broadcast %rem3A_125 : i32 to vector<16xi32>
    %rem3A_127 = arith.remsi %add3A_124, %rem3A_126 : vector<16xi32>
    %swap3A_128 = arith.constant 2 : i32
    %swap3A_129 = arith.index_cast %swap3A_128 : i32 to index
    %swap3A_130 = arith.constant 0 : index
    %swap3A_131 = tpu.vector_load %arg6[%swap3A_129, %swap3A_130] {strides = array<i32>} : memref<4x32xi32, #tpu.memory_space<vmem>>, vector<1x16xi32>,
    %swap3A_132 = vector.shape_cast %swap3A_131 : vector<1x16xi32> to vector<16xi32>
    %swap3A_133 = vector.shape_cast %rem3A_127 : vector<16xi32> to vector<1x16xi32>
    tpu.vector_store %arg6[%swap3A_129, %swap3A_130], %swap3A_133 {strides = array<i32>} : memref<4x32xi32, #tpu.memory_space<vmem>>, vector<1x16xi32>,
    %add3A_134 = arith.constant 64 : i32
    %add3A_135 = arith.addi %mul3A_2, %add3A_134 : i32
    %add3A_136 = arith.constant 16 : i32
    %add3A_137 = arith.addi %add3A_135, %add3A_136 : i32
    %add3A_138 = vector.broadcast %add3A_137 : i32 to vector<16xi32>
    %add3A_139 = arith.addi %get3A_51, %add3A_138 : vector<16xi32>
    %iota3A_140 = tpu.iota {dimensions = array<i32: 0>} : vector<16xi32>
    %add3A_141 = arith.addi %add3A_139, %iota3A_140 : vector<16xi32>
    %rem3A_142 = arith.constant 65536 : i32
    %rem3A_143 = vector.broadcast %rem3A_142 : i32 to vector<16xi32>
    %rem3A_144 = arith.remsi %add3A_141, %rem3A_143 : vector<16xi32>
    %swap3A_145 = arith.constant 2 : i32
    %swap3A_146 = arith.index_cast %swap3A_145 : i32 to index
    %swap3A_147 = arith.constant 16 : index
    %swap3A_148 = tpu.vector_load %arg6[%swap3A_146, %swap3A_147] {strides = array<i32>} : memref<4x32xi32, #tpu.memory_space<vmem>>, vector<1x16xi32>,
    %swap3A_149 = vector.shape_cast %swap3A_148 : vector<1x16xi32> to vector<16xi32>
    %swap3A_150 = vector.shape_cast %rem3A_144 : vector<16xi32> to vector<1x16xi32>
    tpu.vector_store %arg6[%swap3A_146, %swap3A_147], %swap3A_150 {strides = array<i32>} : memref<4x32xi32, #tpu.memory_space<vmem>>, vector<1x16xi32>,
    %add3A_151 = arith.constant 96 : i32
    %add3A_152 = arith.addi %mul3A_2, %add3A_151 : i32
    %add3A_153 = arith.constant 0 : i32
    %add3A_154 = arith.addi %add3A_152, %add3A_153 : i32
    %add3A_155 = vector.broadcast %add3A_154 : i32 to vector<16xi32>
    %add3A_156 = arith.addi %get3A_51, %add3A_155 : vector<16xi32>
    %iota3A_157 = tpu.iota {dimensions = array<i32: 0>} : vector<16xi32>
    %add3A_158 = arith.addi %add3A_156, %iota3A_157 : vector<16xi32>
    %rem3A_159 = arith.constant 65536 : i32
    %rem3A_160 = vector.broadcast %rem3A_159 : i32 to vector<16xi32>
    %rem3A_161 = arith.remsi %add3A_158, %rem3A_160 : vector<16xi32>
    %swap3A_162 = arith.constant 3 : i32
    %swap3A_163 = arith.index_cast %swap3A_162 : i32 to index
    %swap3A_164 = arith.constant 0 : index
    %swap3A_165 = tpu.vector_load %arg6[%swap3A_163, %swap3A_164] {strides = array<i32>} : memref<4x32xi32, #tpu.memory_space<vmem>>, vector<1x16xi32>,
    %swap3A_166 = vector.shape_cast %swap3A_165 : vector<1x16xi32> to vector<16xi32>
    %swap3A_167 = vector.shape_cast %rem3A_161 : vector<16xi32> to vector<1x16xi32>
    tpu.vector_store %arg6[%swap3A_163, %swap3A_164], %swap3A_167 {strides = array<i32>} : memref<4x32xi32, #tpu.memory_space<vmem>>, vector<1x16xi32>,
    %add3A_168 = arith.constant 96 : i32
    %add3A_169 = arith.addi %mul3A_2, %add3A_168 : i32
    %add3A_170 = arith.constant 16 : i32
    %add3A_171 = arith.addi %add3A_169, %add3A_170 : i32
    %add3A_172 = vector.broadcast %add3A_171 : i32 to vector<16xi32>
    %add3A_173 = arith.addi %get3A_51, %add3A_172 : vector<16xi32>
    %iota3A_174 = tpu.iota {dimensions = array<i32: 0>} : vector<16xi32>
    %add3A_175 = arith.addi %add3A_173, %iota3A_174 : vector<16xi32>
    %rem3A_176 = arith.constant 65536 : i32
    %rem3A_177 = vector.broadcast %rem3A_176 : i32 to vector<16xi32>
    %rem3A_178 = arith.remsi %add3A_175, %rem3A_177 : vector<16xi32>
    %swap3A_179 = arith.constant 3 : i32
    %swap3A_180 = arith.index_cast %swap3A_179 : i32 to index
    %swap3A_181 = arith.constant 16 : index
    %swap3A_182 = tpu.vector_load %arg6[%swap3A_180, %swap3A_181] {strides = array<i32>} : memref<4x32xi32, #tpu.memory_space<vmem>>, vector<1x16xi32>,
    %swap3A_183 = vector.shape_cast %swap3A_182 : vector<1x16xi32> to vector<16xi32>
    %swap3A_184 = vector.shape_cast %rem3A_178 : vector<16xi32> to vector<1x16xi32>
    tpu.vector_store %arg6[%swap3A_180, %swap3A_181], %swap3A_184 {strides = array<i32>} : memref<4x32xi32, #tpu.memory_space<vmem>>, vector<1x16xi32>,
    %dma_wait3A = arith.constant 0 : i32
    %dma_wait3A_185 = arith.constant 0 : i32
    %dma_wait3A_186 = tpu.memref_slice %arg7[%dma_wait3A, %dma_wait3A_185] : memref<128x128xf32, #tpu.memory_space<vmem>> -> memref<32x128xf32, #tpu.memory_space<vmem>>
    %dma_wait3A_187 = arith.constant 0 : i32
    %dma_wait3A_188 = tpu.memref_slice %arg3[%add3A_4, %dma_wait3A_187] : memref<4096x128xf32, #tpu.memory_space<hbm>> -> memref<32x128xf32, #tpu.memory_space<hbm>>
    %dma_wait3A_189 = arith.constant 0 : i32
    %dma_wait3A_190 = arith.constant 0 : i32
    %dma_wait3A_191 = tpu.memref_slice %arg7[%dma_wait3A_189, %dma_wait3A_190] : memref<128x128xf32, #tpu.memory_space<vmem>> -> memref<32x128xf32, #tpu.memory_space<vmem>>
    %dma_wait3A_192 = arith.constant 0 : i32
    %dma_wait3A_193 = tpu.memref_slice %arg3[%add3A_4, %dma_wait3A_192] : memref<4096x128xf32, #tpu.memory_space<hbm>> -> memref<32x128xf32, #tpu.memory_space<hbm>>
    tpu.wait_dma2 semaphore(%arg9 : memref<!tpu.dma_semaphore, #tpu.memory_space<semaphore_mem>>) src(%dma_wait3A_193 : memref<32x128xf32, #tpu.memory_space<hbm>>) dst(%dma_wait3A_191 : memref<32x128xf32, #tpu.memory_space<vmem>>)
    %dma_start3A_194 = arith.constant 0 : i32
    %dma_start3A_195 = arith.constant 0 : i32
    %dma_start3A_196 = arith.constant 0 : i32
    %dma_start3A_197 = tpu.memref_slice %arg7[%dma_start3A_195, %dma_start3A_196] : memref<128x128xf32, #tpu.memory_space<vmem>> -> memref<32x128xf32, #tpu.memory_space<vmem>>
    %dma_start3A_198 = arith.constant 0 : i32
    %dma_start3A_199 = tpu.memref_slice %arg6[%dma_start3A_194, %dma_start3A_198] : memref<4x32xi32, #tpu.memory_space<vmem>> -> memref<1x32xi32, #tpu.memory_space<vmem>>
    %dma_start3A_200 = tpu.memref_squeeze %dma_start3A_199 : memref<1x32xi32, #tpu.memory_space<vmem>> -> memref<32xi32, #tpu.memory_space<vmem>>
    %dma_start3A_201 = arith.constant 0 : i32
    %dma_start3A_202 = arith.constant 0 : i32
    %dma_start3A_203 = tpu.memref_slice %arg5[%dma_start3A_201, %dma_start3A_202] : memref<65536x128xf32, #tpu.memory_space<hbm>> -> memref<65536x128xf32, #tpu.memory_space<hbm>>
    tpu.enqueue_indirect_dma source(%dma_start3A_197 : memref<32x128xf32, #tpu.memory_space<vmem>>) target(%dma_start3A_203 : memref<65536x128xf32, #tpu.memory_space<hbm>>) offsets(%dma_start3A_200 : memref<32xi32, #tpu.memory_space<vmem>>) semaphore(%arg11 : memref<!tpu.dma_semaphore, #tpu.memory_space<semaphore_mem>>)
    %dma_wait3A_204 = arith.constant 32 : i32
    %dma_wait3A_205 = arith.constant 0 : i32
    %dma_wait3A_206 = tpu.memref_slice %arg7[%dma_wait3A_204, %dma_wait3A_205] : memref<128x128xf32, #tpu.memory_space<vmem>> -> memref<32x128xf32, #tpu.memory_space<vmem>>
    %dma_wait3A_207 = arith.constant 0 : i32
    %dma_wait3A_208 = tpu.memref_slice %arg3[%add3A_15, %dma_wait3A_207] : memref<4096x128xf32, #tpu.memory_space<hbm>> -> memref<32x128xf32, #tpu.memory_space<hbm>>
    %dma_wait3A_209 = arith.constant 32 : i32
    %dma_wait3A_210 = arith.constant 0 : i32
    %dma_wait3A_211 = tpu.memref_slice %arg7[%dma_wait3A_209, %dma_wait3A_210] : memref<128x128xf32, #tpu.memory_space<vmem>> -> memref<32x128xf32, #tpu.memory_space<vmem>>
    %dma_wait3A_212 = arith.constant 0 : i32
    %dma_wait3A_213 = tpu.memref_slice %arg3[%add3A_15, %dma_wait3A_212] : memref<4096x128xf32, #tpu.memory_space<hbm>> -> memref<32x128xf32, #tpu.memory_space<hbm>>
    tpu.wait_dma2 semaphore(%arg9 : memref<!tpu.dma_semaphore, #tpu.memory_space<semaphore_mem>>) src(%dma_wait3A_213 : memref<32x128xf32, #tpu.memory_space<hbm>>) dst(%dma_wait3A_211 : memref<32x128xf32, #tpu.memory_space<vmem>>)
    %dma_start3A_214 = arith.constant 1 : i32
    %dma_start3A_215 = arith.constant 32 : i32
    %dma_start3A_216 = arith.constant 0 : i32
    %dma_start3A_217 = tpu.memref_slice %arg7[%dma_start3A_215, %dma_start3A_216] : memref<128x128xf32, #tpu.memory_space<vmem>> -> memref<32x128xf32, #tpu.memory_space<vmem>>
    %dma_start3A_218 = arith.constant 0 : i32
    %dma_start3A_219 = tpu.memref_slice %arg6[%dma_start3A_214, %dma_start3A_218] : memref<4x32xi32, #tpu.memory_space<vmem>> -> memref<1x32xi32, #tpu.memory_space<vmem>>
    %dma_start3A_220 = tpu.memref_squeeze %dma_start3A_219 : memref<1x32xi32, #tpu.memory_space<vmem>> -> memref<32xi32, #tpu.memory_space<vmem>>
    %dma_start3A_221 = arith.constant 0 : i32
    %dma_start3A_222 = arith.constant 0 : i32
    %dma_start3A_223 = tpu.memref_slice %arg5[%dma_start3A_221, %dma_start3A_222] : memref<65536x128xf32, #tpu.memory_space<hbm>> -> memref<65536x128xf32, #tpu.memory_space<hbm>>
    tpu.enqueue_indirect_dma source(%dma_start3A_217 : memref<32x128xf32, #tpu.memory_space<vmem>>) target(%dma_start3A_223 : memref<65536x128xf32, #tpu.memory_space<hbm>>) offsets(%dma_start3A_220 : memref<32xi32, #tpu.memory_space<vmem>>) semaphore(%arg11 : memref<!tpu.dma_semaphore, #tpu.memory_space<semaphore_mem>>)
    %dma_wait3A_224 = arith.constant 64 : i32
    %dma_wait3A_225 = arith.constant 0 : i32
    %dma_wait3A_226 = tpu.memref_slice %arg7[%dma_wait3A_224, %dma_wait3A_225] : memref<128x128xf32, #tpu.memory_space<vmem>> -> memref<32x128xf32, #tpu.memory_space<vmem>>
    %dma_wait3A_227 = arith.constant 0 : i32
    %dma_wait3A_228 = tpu.memref_slice %arg3[%add3A_27, %dma_wait3A_227] : memref<4096x128xf32, #tpu.memory_space<hbm>> -> memref<32x128xf32, #tpu.memory_space<hbm>>
    %dma_wait3A_229 = arith.constant 64 : i32
    %dma_wait3A_230 = arith.constant 0 : i32
    %dma_wait3A_231 = tpu.memref_slice %arg7[%dma_wait3A_229, %dma_wait3A_230] : memref<128x128xf32, #tpu.memory_space<vmem>> -> memref<32x128xf32, #tpu.memory_space<vmem>>
    %dma_wait3A_232 = arith.constant 0 : i32
    %dma_wait3A_233 = tpu.memref_slice %arg3[%add3A_27, %dma_wait3A_232] : memref<4096x128xf32, #tpu.memory_space<hbm>> -> memref<32x128xf32, #tpu.memory_space<hbm>>
    tpu.wait_dma2 semaphore(%arg9 : memref<!tpu.dma_semaphore, #tpu.memory_space<semaphore_mem>>) src(%dma_wait3A_233 : memref<32x128xf32, #tpu.memory_space<hbm>>) dst(%dma_wait3A_231 : memref<32x128xf32, #tpu.memory_space<vmem>>)
    %dma_start3A_234 = arith.constant 2 : i32
    %dma_start3A_235 = arith.constant 64 : i32
    %dma_start3A_236 = arith.constant 0 : i32
    %dma_start3A_237 = tpu.memref_slice %arg7[%dma_start3A_235, %dma_start3A_236] : memref<128x128xf32, #tpu.memory_space<vmem>> -> memref<32x128xf32, #tpu.memory_space<vmem>>
    %dma_start3A_238 = arith.constant 0 : i32
    %dma_start3A_239 = tpu.memref_slice %arg6[%dma_start3A_234, %dma_start3A_238] : memref<4x32xi32, #tpu.memory_space<vmem>> -> memref<1x32xi32, #tpu.memory_space<vmem>>
    %dma_start3A_240 = tpu.memref_squeeze %dma_start3A_239 : memref<1x32xi32, #tpu.memory_space<vmem>> -> memref<32xi32, #tpu.memory_space<vmem>>
    %dma_start3A_241 = arith.constant 0 : i32
    %dma_start3A_242 = arith.constant 0 : i32
    %dma_start3A_243 = tpu.memref_slice %arg5[%dma_start3A_241, %dma_start3A_242] : memref<65536x128xf32, #tpu.memory_space<hbm>> -> memref<65536x128xf32, #tpu.memory_space<hbm>>
    tpu.enqueue_indirect_dma source(%dma_start3A_237 : memref<32x128xf32, #tpu.memory_space<vmem>>) target(%dma_start3A_243 : memref<65536x128xf32, #tpu.memory_space<hbm>>) offsets(%dma_start3A_240 : memref<32xi32, #tpu.memory_space<vmem>>) semaphore(%arg11 : memref<!tpu.dma_semaphore, #tpu.memory_space<semaphore_mem>>)
    %dma_wait3A_244 = arith.constant 96 : i32
    %dma_wait3A_245 = arith.constant 0 : i32
    %dma_wait3A_246 = tpu.memref_slice %arg7[%dma_wait3A_244, %dma_wait3A_245] : memref<128x128xf32, #tpu.memory_space<vmem>> -> memref<32x128xf32, #tpu.memory_space<vmem>>
    %dma_wait3A_247 = arith.constant 0 : i32
    %dma_wait3A_248 = tpu.memref_slice %arg3[%add3A_39, %dma_wait3A_247] : memref<4096x128xf32, #tpu.memory_space<hbm>> -> memref<32x128xf32, #tpu.memory_space<hbm>>
    %dma_wait3A_249 = arith.constant 96 : i32
    %dma_wait3A_250 = arith.constant 0 : i32
    %dma_wait3A_251 = tpu.memref_slice %arg7[%dma_wait3A_249, %dma_wait3A_250] : memref<128x128xf32, #tpu.memory_space<vmem>> -> memref<32x128xf32, #tpu.memory_space<vmem>>
    %dma_wait3A_252 = arith.constant 0 : i32
    %dma_wait3A_253 = tpu.memref_slice %arg3[%add3A_39, %dma_wait3A_252] : memref<4096x128xf32, #tpu.memory_space<hbm>> -> memref<32x128xf32, #tpu.memory_space<hbm>>
    tpu.wait_dma2 semaphore(%arg9 : memref<!tpu.dma_semaphore, #tpu.memory_space<semaphore_mem>>) src(%dma_wait3A_253 : memref<32x128xf32, #tpu.memory_space<hbm>>) dst(%dma_wait3A_251 : memref<32x128xf32, #tpu.memory_space<vmem>>)
    %dma_start3A_254 = arith.constant 3 : i32
    %dma_start3A_255 = arith.constant 96 : i32
    %dma_start3A_256 = arith.constant 0 : i32
    %dma_start3A_257 = tpu.memref_slice %arg7[%dma_start3A_255, %dma_start3A_256] : memref<128x128xf32, #tpu.memory_space<vmem>> -> memref<32x128xf32, #tpu.memory_space<vmem>>
    %dma_start3A_258 = arith.constant 0 : i32
    %dma_start3A_259 = tpu.memref_slice %arg6[%dma_start3A_254, %dma_start3A_258] : memref<4x32xi32, #tpu.memory_space<vmem>> -> memref<1x32xi32, #tpu.memory_space<vmem>>
    %dma_start3A_260 = tpu.memref_squeeze %dma_start3A_259 : memref<1x32xi32, #tpu.memory_space<vmem>> -> memref<32xi32, #tpu.memory_space<vmem>>
    %dma_start3A_261 = arith.constant 0 : i32
    %dma_start3A_262 = arith.constant 0 : i32
    %dma_start3A_263 = tpu.memref_slice %arg5[%dma_start3A_261, %dma_start3A_262] : memref<65536x128xf32, #tpu.memory_space<hbm>> -> memref<65536x128xf32, #tpu.memory_space<hbm>>
    tpu.enqueue_indirect_dma source(%dma_start3A_257 : memref<32x128xf32, #tpu.memory_space<vmem>>) target(%dma_start3A_263 : memref<65536x128xf32, #tpu.memory_space<hbm>>) offsets(%dma_start3A_260 : memref<32xi32, #tpu.memory_space<vmem>>) semaphore(%arg11 : memref<!tpu.dma_semaphore, #tpu.memory_space<semaphore_mem>>)
    %dma_wait3A_264 = arith.constant 0 : i32
    %dma_wait3A_265 = arith.constant 0 : i32
    %dma_wait3A_266 = arith.constant 0 : i32
    %dma_wait3A_267 = tpu.memref_slice %arg7[%dma_wait3A_265, %dma_wait3A_266] : memref<128x128xf32, #tpu.memory_space<vmem>> -> memref<32x128xf32, #tpu.memory_space<vmem>>
    %dma_wait3A_268 = arith.constant 0 : i32
    %dma_wait3A_269 = tpu.memref_slice %arg6[%dma_wait3A_264, %dma_wait3A_268] : memref<4x32xi32, #tpu.memory_space<vmem>> -> memref<1x32xi32, #tpu.memory_space<vmem>>
    %dma_wait3A_270 = tpu.memref_squeeze %dma_wait3A_269 : memref<1x32xi32, #tpu.memory_space<vmem>> -> memref<32xi32, #tpu.memory_space<vmem>>
    %dma_wait3A_271 = arith.constant 0 : i32
    %dma_wait3A_272 = arith.constant 0 : i32
    %dma_wait3A_273 = tpu.memref_slice %arg5[%dma_wait3A_271, %dma_wait3A_272] : memref<65536x128xf32, #tpu.memory_space<hbm>> -> memref<65536x128xf32, #tpu.memory_space<hbm>>
    tpu.wait_indirect_dma semaphore(%arg11 : memref<!tpu.dma_semaphore, #tpu.memory_space<semaphore_mem>>) src(%dma_wait3A_267 : memref<32x128xf32, #tpu.memory_space<vmem>>) dst(%dma_wait3A_273 : memref<65536x128xf32, #tpu.memory_space<hbm>>)
    %dma_wait3A_274 = arith.constant 1 : i32
    %dma_wait3A_275 = arith.constant 32 : i32
    %dma_wait3A_276 = arith.constant 0 : i32
    %dma_wait3A_277 = tpu.memref_slice %arg7[%dma_wait3A_275, %dma_wait3A_276] : memref<128x128xf32, #tpu.memory_space<vmem>> -> memref<32x128xf32, #tpu.memory_space<vmem>>
    %dma_wait3A_278 = arith.constant 0 : i32
    %dma_wait3A_279 = tpu.memref_slice %arg6[%dma_wait3A_274, %dma_wait3A_278] : memref<4x32xi32, #tpu.memory_space<vmem>> -> memref<1x32xi32, #tpu.memory_space<vmem>>
    %dma_wait3A_280 = tpu.memref_squeeze %dma_wait3A_279 : memref<1x32xi32, #tpu.memory_space<vmem>> -> memref<32xi32, #tpu.memory_space<vmem>>
    %dma_wait3A_281 = arith.constant 0 : i32
    %dma_wait3A_282 = arith.constant 0 : i32
    %dma_wait3A_283 = tpu.memref_slice %arg5[%dma_wait3A_281, %dma_wait3A_282] : memref<65536x128xf32, #tpu.memory_space<hbm>> -> memref<65536x128xf32, #tpu.memory_space<hbm>>
    tpu.wait_indirect_dma semaphore(%arg11 : memref<!tpu.dma_semaphore, #tpu.memory_space<semaphore_mem>>) src(%dma_wait3A_277 : memref<32x128xf32, #tpu.memory_space<vmem>>) dst(%dma_wait3A_283 : memref<65536x128xf32, #tpu.memory_space<hbm>>)
    %dma_wait3A_284 = arith.constant 2 : i32
    %dma_wait3A_285 = arith.constant 64 : i32
    %dma_wait3A_286 = arith.constant 0 : i32
    %dma_wait3A_287 = tpu.memref_slice %arg7[%dma_wait3A_285, %dma_wait3A_286] : memref<128x128xf32, #tpu.memory_space<vmem>> -> memref<32x128xf32, #tpu.memory_space<vmem>>
    %dma_wait3A_288 = arith.constant 0 : i32
    %dma_wait3A_289 = tpu.memref_slice %arg6[%dma_wait3A_284, %dma_wait3A_288] : memref<4x32xi32, #tpu.memory_space<vmem>> -> memref<1x32xi32, #tpu.memory_space<vmem>>
    %dma_wait3A_290 = tpu.memref_squeeze %dma_wait3A_289 : memref<1x32xi32, #tpu.memory_space<vmem>> -> memref<32xi32, #tpu.memory_space<vmem>>
    %dma_wait3A_291 = arith.constant 0 : i32
    %dma_wait3A_292 = arith.constant 0 : i32
    %dma_wait3A_293 = tpu.memref_slice %arg5[%dma_wait3A_291, %dma_wait3A_292] : memref<65536x128xf32, #tpu.memory_space<hbm>> -> memref<65536x128xf32, #tpu.memory_space<hbm>>
    tpu.wait_indirect_dma semaphore(%arg11 : memref<!tpu.dma_semaphore, #tpu.memory_space<semaphore_mem>>) src(%dma_wait3A_287 : memref<32x128xf32, #tpu.memory_space<vmem>>) dst(%dma_wait3A_293 : memref<65536x128xf32, #tpu.memory_space<hbm>>)
    %dma_wait3A_294 = arith.constant 3 : i32
    %dma_wait3A_295 = arith.constant 96 : i32
    %dma_wait3A_296 = arith.constant 0 : i32
    %dma_wait3A_297 = tpu.memref_slice %arg7[%dma_wait3A_295, %dma_wait3A_296] : memref<128x128xf32, #tpu.memory_space<vmem>> -> memref<32x128xf32, #tpu.memory_space<vmem>>
    %dma_wait3A_298 = arith.constant 0 : i32
    %dma_wait3A_299 = tpu.memref_slice %arg6[%dma_wait3A_294, %dma_wait3A_298] : memref<4x32xi32, #tpu.memory_space<vmem>> -> memref<1x32xi32, #tpu.memory_space<vmem>>
    %dma_wait3A_300 = tpu.memref_squeeze %dma_wait3A_299 : memref<1x32xi32, #tpu.memory_space<vmem>> -> memref<32xi32, #tpu.memory_space<vmem>>
    %dma_wait3A_301 = arith.constant 0 : i32
    %dma_wait3A_302 = arith.constant 0 : i32
    %dma_wait3A_303 = tpu.memref_slice %arg5[%dma_wait3A_301, %dma_wait3A_302] : memref<65536x128xf32, #tpu.memory_space<hbm>> -> memref<65536x128xf32, #tpu.memory_space<hbm>>
    tpu.wait_indirect_dma semaphore(%arg11 : memref<!tpu.dma_semaphore, #tpu.memory_space<semaphore_mem>>) src(%dma_wait3A_297 : memref<32x128xf32, #tpu.memory_space<vmem>>) dst(%dma_wait3A_303 : memref<65536x128xf32, #tpu.memory_space<hbm>>)
    return
  }
}

module attributes {stable_mosaic.version = 14 : i64} {
  func.func @body(%arg0: i32, %arg1: memref<16384x128xf32, #tpu.memory_space<vmem>>, %arg2: memref<16384x128xf32, #tpu.memory_space<vmem>>) attributes {dimension_semantics = [#tpu.dimension_semantics<arbitrary>], iteration_bounds = array<i64: 4>, scalar_prefetch = 0 : i64, scratch_operands = 0 : i64, tpu.core_type = #tpu.core_type<tc>, window_params = [{transform_indices = @transform_0, window_bounds = array<i64: 16384, 128>}, {transform_indices = @transform_1, window_bounds = array<i64: 16384, 128>}]} {
    %get3A = arith.constant 0 : index
    %get3A_0 = arith.constant 0 : index
    %get3A_1 = vector.load %arg1[%get3A, %get3A_0] : memref<16384x128xf32, #tpu.memory_space<vmem>>, vector<16384x128xf32>
    %swap3A = arith.constant 0 : index
    %swap3A_2 = arith.constant 0 : index
    %swap3A_3 = vector.load %arg2[%swap3A, %swap3A_2] : memref<16384x128xf32, #tpu.memory_space<vmem>>, vector<16384x128xf32>
    tpu.vector_store %arg2[%swap3A, %swap3A_2], %get3A_1 {strides = array<i32>} : memref<16384x128xf32, #tpu.memory_space<vmem>>, vector<16384x128xf32>,
    return
  }
  func.func @transform_0(%arg0: i32) -> (i32, i32) {
    %c0_i32 = arith.constant 0 : i32
    %c0_i32_0 = arith.constant 0 : i32
    return %arg0, %c0_i32 : i32, i32
  }
  func.func @transform_1(%arg0: i32) -> (i32, i32) {
    %c0_i32 = arith.constant 0 : i32
    %c0_i32_0 = arith.constant 0 : i32
    return %arg0, %c0_i32 : i32, i32
  }
}

</mosaic_0001>

<sc_bundles>
// kernel: fifo_scatter.3.cloned.1.call-start
scs
__scs_entry_jumppad:
0x0: {  	(pc) =	sbr.rel $0x88, $3  }
0x1: {  	(tag) =	ssettag $0x0;
	lr =	simm.s32 $0x1  }
0x2: {  	[smem:$0x3F9E] =	sst lr;
	_ =	strace $0xD0000000  }
0x3: {  	_ = 	snop  }
0x4: {  	_ = 	snop  }
0x5: {  	_ = 	snop  }
0x6: {  	_ = 	snop  }
0x7: {  	_ = 	snop  }
__scs_overlays_trampoline_lowered:
0x8: {  	[smem:$0x3FAD] =	sst s0  }
0x9: {  	[smem:$0x3FAE] =	sst s1  }
0xa: {  	[smem:$0x3FAF] =	sst s2  }
0xb: {  	[smem:$0x3FB0] =	sst s3  }
0xc: {  	[smem:$0x3FB1] =	sst s4  }
0xd: {  	[smem:$0x3FB2] =	sst s5  }
0xe: {  	[smem:$0x3FB3] =	sst s6  }
0xf: {  	[smem:$0x3FB4] =	sst s7  }
0x10: {  	[smem:$0x3FB5] =	sst s8  }
0x11: {  	[smem:$0x3FB6] =	sst s9;
	s0 =	simm.s32 @!p0 $0x0  }
0x12: {  	s1 =	sld [smem:$0x3F9C];
	s0 =	simm.s32 @p0 $0x1  }
0x13: {  	[smem:$0x3FB7] =	sst s0;
	s0 =	simm.s32 @!p1 $0x0  }
0x14: {  	s2 =	sld [smem:$0x3F9B];
	s0 =	simm.s32 @p1 $0x1  }
0x15: {  	[smem:$0x3FB8] =	sst s0;
	s0 =	simm.s32 @!p2 $0x0  }
0x16: {  	s3 =	sld [smem:$0x3FDB];
	s0 =	simm.s32 @p2 $0x1  }
0x17: {  	s4 =	simm.s32 $0x1BF5;
	[smem:$0x3FBA] =	sst s0  }
0x18: {  	s0 =	sld [smem:$0x3F9D];
	_ =	swait.ge [sflag:s4], $0x0  }
0x19: {  	s7 =	sld [smem:$0x3F9E]  }
0x1a: {  	s8 =	sadd.s32 $0xFFFFE003, lr  }
0x1b: {  	s9 =	sadd.s32 $0xFFFFFEF7, lr;
	s5 =	simm.s32 $0xFFFFFFFF;
	p2 =	slt.u32 s8, $0xFFFFF086  }
0x1c: {  	p1 =	slt.u32 s9, $0xF7A;
	s5 =	simm.s32 @!p2 $0x0  }
0x1d: {  	s5 =	simm.s32 @p1 $0x1;
	p0 =	seq.s32 s7, s2  }
0x1e: {  	s7 =	smul.u32 @!p0 $0xF7A, s2;
	p2 =	seq.s32 @!p0 s5, $0x0  }
0x1f: {  	s9 =	smul.u32 $0xF7A, s1;
	s8 =	simm.s32 @!p0 $0x1BF5;
	p2 =	por !p2, p0  }
0x20: {  	[sflag:s8] =	ssyncset.s32 @!p0 $0xFFFFF086;
	s6 =	sadd.s32 @!p0 s3, s7;
	s7 =	simm.s32 @!p0 $0x108  }
0x21: {  	s3 =	sadd.s32 s3, s9;
	s6 =	sadd.s32 @!p0 $0x88, s6;
	s7 =	simm.s32 @p2 $0x1082  }
0x22: {  	[simem:s7], [sflag:s8] =	dma.local @!p0 [hbm:s6], $0xF7A  }
0x23: {  	s9 =	sor.u32 $0xD0000000, s2;
	s6 =	simm.s32 $0x108;
	_ =	swait.ge @!p0 [sflag:s8], $0x0  }
0x24: {  	s3 =	sadd.s32 $0x88, s3;
	s6 =	simm.s32 @!p1 $0x1082;
	[sflag:s4] =	ssyncset.s32 $0xFFFFF086  }
0x25: {  	[simem:s6], [sflag:s4] =	dma.local [hbm:s3], $0xF7A  }
0x26: {  	[smem:$0x3F9E] =	sst s1;
	(tag) =	ssettag s2;
	_ =	strace s9  }
0x27: {  	s1 =	sld [smem:$0x3FAE]  }
0x28: {  	s2 =	sld [smem:$0x3FAF]  }
0x29: {  	s4 =	sld [smem:$0x3FB1]  }
0x2a: {  	p0 =	seq.s32 s5, $0x0;
	s5 =	sld [smem:$0x3FB2]  }
0x2b: {  	s6 =	sld [smem:$0x3FB3]  }
0x2c: {  	s7 =	sld [smem:$0x3FB4]  }
0x2d: {  	s3 =	simm.s32 $0x108;
	s8 =	sld [smem:$0x3FB5]  }
0x2e: {  	s3 =	simm.s32 @!p0 $0x1082;
	s9 =	sld [smem:$0x3FB6]  }
0x2f: {  	lr =	sadd.s32 s0, s3;
	s0 =	sld [smem:$0x3FAD]  }
0x30: {  	s3 =	sld [smem:$0x3FB0]  }
0x31: {  	[smem:$0x3FB9] =	sst s10  }
0x32: {  	s10 =	sld [smem:$0x3FB7];
	_ =	sdelay $0x3  }
0x33: {  	p0 =	seq.s32 s10, $0x1;
	s10 =	sld [smem:$0x3FB9];
	_ =	sdelay $0x3  }
0x34: {  	[smem:$0x3FB9] =	sst s10  }
0x35: {  	s10 =	sld [smem:$0x3FB8];
	_ =	sdelay $0x3  }
0x36: {  	p1 =	seq.s32 s10, $0x1;
	s10 =	sld [smem:$0x3FB9];
	_ =	sdelay $0x3  }
0x37: {  	[smem:$0x3FB9] =	sst s10  }
0x38: {  	s10 =	sld [smem:$0x3FBA]  }
0x39: {  	_ = 	snop;
	(pc) =	sbr.ind lr, $3  }
0x3a: {  	_ = 	snop  }
0x3b: {  	_ = 	snop  }
0x3c: {  	p2 =	seq.s32 s10, $0x1;
	s10 =	sld [smem:$0x3FB9]  }
0x3d: {  	_ =	shalt  }
0x3e: {  	_ =	shalt  }
0x3f: {  	_ =	shalt  }
0x40: {  	_ =	shalt  }
0x41: {  	_ =	shalt  }
0x42: {  	_ =	shalt  }
0x43: {  	_ =	shalt  }
0x44: {  	_ =	shalt  }
0x45: {  	_ =	shalt  }
0x46: {  	_ =	shalt  }
0x47: {  	_ =	shalt  }
0x48: {  	_ =	shalt  }
0x49: {  	_ =	shalt  }
0x4a: {  	_ =	shalt  }
0x4b: {  	_ =	shalt  }
0x4c: {  	_ =	shalt  }
0x4d: {  	_ =	shalt  }
0x4e: {  	_ =	shalt  }
0x4f: {  	_ =	shalt  }
0x50: {  	_ =	shalt  }
0x51: {  	_ =	shalt  }
0x52: {  	_ =	shalt  }
0x53: {  	_ =	shalt  }
0x54: {  	_ =	shalt  }
0x55: {  	_ =	shalt  }
0x56: {  	_ =	shalt  }
0x57: {  	_ =	shalt  }
0x58: {  	_ =	shalt  }
0x59: {  	_ =	shalt  }
0x5a: {  	_ =	shalt  }
0x5b: {  	_ =	shalt  }
0x5c: {  	_ =	shalt  }
0x5d: {  	_ =	shalt  }
0x5e: {  	_ =	shalt  }
0x5f: {  	_ =	shalt  }
0x60: {  	_ =	shalt  }
0x61: {  	_ =	shalt  }
0x62: {  	_ =	shalt  }
0x63: {  	_ =	shalt  }
0x64: {  	_ =	shalt  }
0x65: {  	_ =	shalt  }
0x66: {  	_ =	shalt  }
0x67: {  	_ =	shalt  }
0x68: {  	_ =	shalt  }
0x69: {  	_ =	shalt  }
0x6a: {  	_ =	shalt  }
0x6b: {  	_ =	shalt  }
0x6c: {  	_ =	shalt  }
0x6d: {  	_ =	shalt  }
0x6e: {  	_ =	shalt  }
0x6f: {  	_ =	shalt  }
0x70: {  	_ =	shalt  }
0x71: {  	_ =	shalt  }
0x72: {  	_ =	shalt  }
0x73: {  	_ =	shalt  }
0x74: {  	_ =	shalt  }
0x75: {  	_ =	shalt  }
0x76: {  	_ =	shalt  }
0x77: {  	_ =	shalt  }
0x78: {  	_ =	shalt  }
0x79: {  	_ =	shalt  }
0x7a: {  	_ =	shalt  }
0x7b: {  	_ =	shalt  }
0x7c: {  	_ =	shalt  }
0x7d: {  	_ =	shalt  }
0x7e: {  	_ =	shalt  }
0x7f: {  	_ =	shalt  }
0x80: {  	_ =	shalt  }
0x81: {  	_ =	shalt  }
0x82: {  	_ =	shalt  }
0x83: {  	_ =	shalt  }
0x84: {  	_ =	shalt  }
0x85: {  	_ =	shalt  }
0x86: {  	_ =	shalt  }
0x87: {  	_ =	shalt  }
.Lfunc_end0:
.L_simem_size_0:
called_computation_lowered:
.L_overlay_start_0:
0x88: {  	s2 =	sld [smem:$0x3FD9]  }
0x89: {  	s3 =	sld [smem:$0x3FFE];
	_ =	sdelay $0x1  }
0x8a: {  	s1 =	srdreg.scid  }
0x8b: {  	s0 =	sand.u32 $0x1, s1  }
0x8c: {  	s17 =	sshll.u32 s0, $0xA;
	s2 =	sadd.s32 s3, s2  }
0x8d: {  	s2 =	sadd.s32 s2, s17  }
0x8e: {  	[smem:$0x3FC5] =	sst s2  }
0x8f: {  	_ = 	snop  }
0x90: {  	s2 =	sld [smem:$0x3FC8]  }
0x91: {  	s18 =	sld [smem:$0x3FD0];
	(tm) =	ssettm $0x1  }
0x92: {  	s4 =	sld [smem:$0x3FFB];
	_ =	sdelay $0x3  }
0x93: {  	_ =	strace s4  }
0x94: {  	s4 =	sld [smem:$0x3FFC];
	_ =	sdelay $0x3  }
0x95: {  	_ =	strace s4  }
0x96: {  	s4 =	sld [smem:$0x3FFD];
	_ =	sdelay $0x3  }
0x97: {  	_ =	strace s4  }
0x98: {  	_ =	strace $0x8FFFFFFF  }
0x99: {  	s19 =	sld [smem:$0x3FDB];
	_ =	sdelay $0x1  }
0x9a: {  	s5 =	simm.s32 $_scs_section_size  }
0x9b: {  	s6 =	simm.s32 $_size__tile_overlayer_lowered;
	s7 =	simm.s32 $_tile_overlayer_lowered  }
0x9c: {  	s22 =	simm.s32 $0x1BFF;
	s21 =	sshll.u32 s7, $0x1;
	s4 =	sadd.s32 s5, s19  }
0x9d: {  	s8 =	simm.s32 $0x0;
	s20 =	sshll.u32 s6, $0x1;
	s6 =	sadd.s32 s21, s4  }
0x9e: {  	[timem:s8], [sflag:s22] =	dma.local [hbm:s6], s20  }
0x9f: {  	_ =	swait.ge [sflag:s22], s20  }
0xa0: {  	s5 =	ssub.s32 $0x0, s20;
	[sflag:s22] =	ssyncset.done $0x0  }
0xa1: {  	[sflag:s22] =	ssyncadd.s32 s5;
	_ =	sdelay $0x1  }
0xa2: {  	s23 =	simm.s32 $0x1B8B  }
0xa3: {  	_ =	swait.ge [sflag:s23], $0x1  }
0xa4: {  	[sflag:s23] =	ssyncset.done $0x0  }
0xa5: {  	s25 =	simm.s32 $0x1B8E;
	s24 =	sld [smem:$0x3FFE];
	[sflag:s23] =	ssyncadd.s32 $0xFFFFFFFF  }
0xa6: {  	s26 =	simm.s32 $execute0_lowered;
	[smem:$0x3FD2] =	sst s25  }
0xa7: {  	s6 =	sshll.u32 s26, $0x1;
	_ =	strace $0x80000046;
	[dreg:$0x1] =	wrdreg $0xFFFFFFFF  }
0xa8: {  	s28 =	simm.s32 $_size_execute0_lowered;
	s4 =	sadd.s32 s4, s6;
	[dreg:$0x0] =	wrdreg $0x0  }
0xa9: {  	s6 =	sshll.u32 s28, $0x1;
	[dreg:$0x2] =	wrdreg s4  }
0xaa: {  	[dreg:$0x3] =	wrdreg s6  }
0xab: {  	[dreg:$0x4] =	wrdreg $0xC0  }
0xac: {  	_ =	task [dreg:s8], $0x5FFFF  }
0xad: {  	[dreg:$0x1] =	wrdreg $0xFFFFFFFF  }
0xae: {  	[dreg:$0x0] =	wrdreg $0x60  }
0xaf: {  	[dreg:$0x2] =	wrdreg s2  }
0xb0: {  	[dreg:$0x3] =	wrdreg s24  }
0xb1: {  	[dreg:$0x4] =	wrdreg s18  }
0xb2: {  	[dreg:$0x5] =	wrdreg $0x9  }
0xb3: {  	_ =	task.clear_ibuf [dreg:s8], $0x6FFFF;
	_ =	strace $0x90000046  }
0xb4: {  	s29 =	simm.s32 $0x9;
	_ =	strace $0x80000048  }
0xb5: {  	_ =	swait.ge [sflag:s29], $0x1  }
0xb6: {  	[sflag:s29] =	ssyncadd.s32 $0xFFFFFFFF  }
0xb7: {  	_ =	strace $0x90000048  }
0xb8: {  	_ =	sfence  }
0xb9: {  	s30 =	sld [smem:$0x0];
	_ =	sdelay $0x2  }
0xba: {  	s31 =	sshll.u32 s1, $0xD;
	s1 =	sshrl.u32 s1, $0x2  }
0xbb: {  	s3 =	sand.u32 $0x4000, s31;
	s1 =	sadd.s32 s1, s30  }
0xbc: {  	s0 =	sor.u32 s3, s0;
	s1 =	sshll.u32 s1, $0x11  }
0xbd: {  	s0 =	sor.u32 s1, s0  }
0xbe: {  	s0 =	sadd.s32 $0x8F2B, s0  }
0xbf: {  	[sflag:s0] =	ssyncadd.remote.s32 $0x1  }
0xc0: {  	_ =	sfence.sel $0xFFFF  }
0xc1: {  	[dreg:$0x0] =	wrdreg $0xFFFFFFFF;
	(pc) =	sbr.abs _section_cstart, $3  }
0xc2: {  	[dreg:$0x1] =	wrdreg $0xFFFFFFFF  }
0xc3: {  	_ =	task.clear_ibuf [dreg:s8], $0x2FFFF;
	_ =	strace $0x9FFFFFFF  }
0xc4: {  	(tm) =	ssettm $0x7FFFFFFF  }
0xc5: {  	_ =	shalt  }
tec
execute0_lowered:
.L_overlay_start_1:
0x0: {  	(tag) =	ssettag $0x1  }
0x1: {  	s7 =	rddreg [dreg:$0x0]  }
0x2: {  	s1 =	srdreg.scid;
	s12 =	rddreg [dreg:$0x1]  }
0x3: {  	s0 =	stileid.u32;
	s2 =	rddreg [dreg:$0x2]  }
0x4: {  	s3 =	simm.s32 $0x0;
	s6 =	simm.s32 $0x200;
	s15 =	sand.u32 $0x1, s1  }
0x5: {  	s4 =	sshll.u32 s0, $0x8;
	s1 =	rddreg [dreg:$0x3];
	s5 =	sshll.u32 s15, $0x7  }
0x6: {  	s8 =	simm.s32 $0x1200;
	[smem:$0x7FF] =	sst s3;
	s16 =	sor.u32 s5, s4  }
0x7: {  	_ =	strace $0x80000047;
	s4 =	sshll.u32 s16, $0x4;
	s17 =	sor.u32 $0x20, s16  }
0x8: {  	s18 =	sor.u32 $0x40, s16;
	s4 =	sadd.s32 s7, s4;
	s26 =	sshll.u32 s17, $0x4  }
0x9: {  	[tilespmem:s6], [sflag:$0x1] =	stream.linear.gather [hbm4b:s4+s3], $0x1000, $0x38;
	[tilespmem:$0x4280] =	vst v63  }
0xa: {  	s19 =	sor.u32 $0x60, s16;
	s9 =	sshll.u32 s18, $0x4;
	s5 =	sadd.s32 s7, s26  }
0xb: {  	[tilespmem:s8], [sflag:$0x1] =	stream.linear.gather [hbm4b:s5+s3], $0x1000, $0x38;
	[tilespmem:$0x4280] =	vst v63  }
0xc: {  	s11 =	sshll.u32 s19, $0x4;
	s10 =	sadd.s32 s7, s9;
	s9 =	simm.s32 $0x2200  }
0xd: {  	[tilespmem:s9], [sflag:$0x1] =	stream.linear.gather [hbm4b:s10+s3], $0x1000, $0x38;
	[tilespmem:$0x4280] =	vst v63  }
0xe: {  	s11 =	sadd.s32 s7, s11;
	s7 =	simm.s32 $0x3200  }
0xf: {  	[tilespmem:s7], [sflag:$0x1] =	stream.linear.gather [hbm4b:s11+s3], $0x1000, $0x38;
	[tilespmem:$0x4280] =	vst v63  }
0x10: {  	s13 =	simm.s32 $0x4200;
	s14 =	simm.s32 $0x2;
	s12 =	sadd.s32 $0x400, s12  }
0x11: {  	[tilespmem:s13], [sflag:$0x2] =	stream.linear.gather [hbm4b:s12+s3], $0x80, $0x38;
	[tilespmem:$0x4280] =	vst v63  }
0x12: {  	_ =	swait.ge [sflag:s14], $0x80  }
0x13: {  	[sflag:s14] =	ssyncset.done $0x0  }
0x14: {  	[sflag:s14] =	ssyncadd.s32 $0xFFFFFF80  }
0x15: {  	v8 =	vld [tilespmem:$0x4200]  }
0x16: {  	v7 =	vlaneseq.u32;
	s20 =	sor.u32 $0x10, s16  }
0x17: {  	v0 =	vor.u32 s16, v7;
	s28 =	sor.u32 $0x30, s16;
	v1 =	vor.u32 s20, v7  }
0x18: {  	s29 =	sor.u32 $0x50, s16;
	s16 =	sor.u32 $0x70, s16;
	v2 =	vor.u32 s17, v7;
	v3 =	vor.u32 s28, v7;
	v4 =	vor.u32 s18, v7  }
0x19: {  	v5 =	vor.u32 s29, v7;
	v6 =	vor.u32 s19, v7;
	v7 =	vor.u32 s16, v7  }
0x1a: {  	v9 =	vadd.s32 v0, v8;
	v10 =	vadd.s32 v6, v8;
	v11 =	vadd.s32 v7, v8  }
0x1b: {  	v12 =	vadd.s32 v3, v8;
	v13 =	vadd.s32 v4, v8;
	v14 =	vadd.s32 v5, v8  }
0x1c: {  	v16 =	vadd.s32 v1, v8;
	v8 =	vadd.s32 v2, v8;
	v15 =	vshra.s32 v9, $0x1F  }
0x1d: {  	v17 =	vshra.s32 v14, $0x1F;
	v18 =	vshra.s32 v13, $0x1F;
	v19 =	vshra.s32 v11, $0x1F  }
0x1e: {  	v20 =	vshra.s32 v16, $0x1F;
	v21 =	vshra.s32 v10, $0x1F;
	v22 =	vshra.s32 v8, $0x1F  }
0x1f: {  	v59 =	vshra.s32 v12, $0x1F;
	v17 =	vshrl.u32 v17, $0x10;
	v21 =	vshrl.u32 v21, $0x10  }
0x20: {  	v15 =	vshrl.u32 v15, $0x10;
	v18 =	vshrl.u32 v18, $0x10;
	v20 =	vshrl.u32 v20, $0x10  }
0x21: {  	v55 =	vshrl.u32 v22, $0x10;
	v57 =	vshrl.u32 v19, $0x10;
	v17 =	vadd.s32 v17, v14  }
0x22: {  	v60 =	vshrl.u32 v59, $0x10;
	v15 =	vadd.s32 v15, v9;
	v17 =	vand.u32 $0xFFFF0000, v17  }
0x23: {  	v56 =	vadd.s32 v55, v8;
	v15 =	vand.u32 $0xFFFF0000, v15;
	v14 =	vsub.s32 v14, v17  }
0x24: {  	v20 =	vadd.s32 v20, v16;
	v58 =	vand.u32 $0xFFFF0000, v56;
	v9 =	vsub.s32 v9, v15;
	[tilespmem:$0x110] =	vst v14  }
0x25: {  	v54 =	vadd.s32 v21, v10;
	v20 =	vand.u32 $0xFFFF0000, v20;
	v8 =	vsub.s32 v8, v58;
	[tilespmem:$0x0] =	vst v9  }
0x26: {  	v61 =	vadd.s32 v18, v13;
	v17 =	vand.u32 $0xFFFF0000, v54;
	v62 =	vsub.s32 v16, v20;
	[tilespmem:$0x80] =	vst v8  }
0x27: {  	v10 =	vsub.s32 v10, v17;
	v8 =	vand.u32 $0xFFFF0000, v61;
	v14 =	vadd.s32 v57, v11;
	[tilespmem:$0x10] =	vst v62  }
0x28: {  	s30 =	ssub.s32 $0x2, s15;
	v9 =	vadd.s32 v60, v12;
	[tilespmem:$0x180] =	vst v10;
	v8 =	vsub.s32 v13, v8;
	v63 =	vand.u32 $0xFFFF0000, v14  }
0x29: {  	s31 =	sshrl.u32 s30, $0x1;
	v9 =	vand.u32 $0xFFFF0000, v9;
	[tilespmem:$0x100] =	vst v8;
	v8 =	vsub.s32 v11, v63  }
0x2a: {  	s16 =	ssub.s32 s30, s31;
	v9 =	vsub.s32 v12, v9;
	[tilespmem:$0x190] =	vst v8  }
0x2b: {  	s15 =	simm.s32 $0x1;
	s21 =	smax.u32 s16, $0x1;
	[tilespmem:$0x90] =	vst v9  }
0x2c: {  	p0 =	sne.s32 s21, $0x1;
	_ =	swait.ge [sflag:s15], $0x1000  }
.Ltmp0:
0x2d: {  	[sflag:s15] =	ssyncset.done $0x0;
	(pc) =	sbr.rel @!p0 .LBB2_2-.Ltmp0, $4  }
0x2e: {  	s17 =	simm.s32 $0x20;
	s20 =	simm.s32 $0x80;
	[sflag:s15] =	ssyncadd.s32 $0xFFFFF000  }
0x2f: {  	[hbm4b:s2+s17] =	stream.indirect.scatter [tilespmem:s6], [sflag:$0x3], $0x80, s3, s17, $0xb8;
	[tilespmem:$0x4280] =	vst v63  }
0x30: {  	s19 =	simm.s32 $0x100;
	s18 =	simm.s32 $0x180;
	_ =	swait.ge [sflag:s15], $0x1000  }
0x31: {  	s16 =	simm.s32 $0x3;
	s21 =	sadd.s32 $0xFFFFFFFF, s21;
	[sflag:s15] =	ssyncset.done $0x0  }
.LBB2_1:
0x32: {  	p0 =	sne.s32 s21, $0x1;
	s21 =	sadd.s32 $0xFFFFFFFF, s21;
	[sflag:s15] =	ssyncadd.s32 $0xFFFFF000  }
0x33: {  	[hbm4b:s2+s17] =	stream.indirect.scatter [tilespmem:s8], [sflag:$0x3], $0x80, s20, s17, $0xb8;
	[tilespmem:$0x4280] =	vst v63  }
0x34: {  	_ =	swait.ge [sflag:s15], $0x1000  }
0x35: {  	[sflag:s15] =	ssyncset.done $0x0  }
0x36: {  	[sflag:s15] =	ssyncadd.s32 $0xFFFFF000  }
0x37: {  	[hbm4b:s2+s17] =	stream.indirect.scatter [tilespmem:s9], [sflag:$0x3], $0x80, s19, s17, $0xb8;
	[tilespmem:$0x4280] =	vst v63  }
0x38: {  	_ =	swait.ge [sflag:s15], $0x1000  }
0x39: {  	[sflag:s15] =	ssyncset.done $0x0  }
0x3a: {  	[sflag:s15] =	ssyncadd.s32 $0xFFFFF000  }
0x3b: {  	[hbm4b:s2+s17] =	stream.indirect.scatter [tilespmem:s7], [sflag:$0x3], $0x80, s18, s17, $0xb8;
	[tilespmem:$0x4280] =	vst v63  }
0x3c: {  	_ =	swait.ge [sflag:s16], $0x1000  }
0x3d: {  	[sflag:s16] =	ssyncset.done $0x0  }
0x3e: {  	[sflag:s16] =	ssyncadd.s32 $0xFFFFF000  }
0x3f: {  	_ =	swait.ge [sflag:s16], $0x1000  }
0x40: {  	[sflag:s16] =	ssyncset.done $0x0  }
0x41: {  	[sflag:s16] =	ssyncadd.s32 $0xFFFFF000  }
0x42: {  	_ =	swait.ge [sflag:s16], $0x1000  }
0x43: {  	[sflag:s16] =	ssyncset.done $0x0  }
0x44: {  	[sflag:s16] =	ssyncadd.s32 $0xFFFFF000  }
0x45: {  	_ =	swait.ge [sflag:s16], $0x1000  }
0x46: {  	[sflag:s16] =	ssyncset.done $0x0  }
0x47: {  	[sflag:s16] =	ssyncadd.s32 $0xFFFFF000  }
0x48: {  	[tilespmem:s6], [sflag:$0x1] =	stream.linear.gather [hbm4b:s4+s3], $0x1000, $0x38;
	[tilespmem:$0x4280] =	vst v63  }
0x49: {  	_ = 	snop  }
0x4a: {  	[tilespmem:s8], [sflag:$0x1] =	stream.linear.gather [hbm4b:s5+s3], $0x1000, $0x38;
	[tilespmem:$0x4280] =	vst v63  }
0x4b: {  	_ = 	snop  }
0x4c: {  	[tilespmem:s9], [sflag:$0x1] =	stream.linear.gather [hbm4b:s10+s3], $0x1000, $0x38;
	[tilespmem:$0x4280] =	vst v63  }
0x4d: {  	_ = 	snop  }
0x4e: {  	[tilespmem:s7], [sflag:$0x1] =	stream.linear.gather [hbm4b:s11+s3], $0x1000, $0x38;
	[tilespmem:$0x4280] =	vst v63  }
0x4f: {  	_ = 	snop  }
0x50: {  	[tilespmem:s13], [sflag:$0x2] =	stream.linear.gather [hbm4b:s12+s3], $0x80, $0x38;
	[tilespmem:$0x4280] =	vst v63  }
0x51: {  	_ =	swait.ge [sflag:s14], $0x80  }
0x52: {  	[sflag:s14] =	ssyncset.done $0x0  }
0x53: {  	[sflag:s14] =	ssyncadd.s32 $0xFFFFFF80  }
0x54: {  	v8 =	vld [tilespmem:$0x4200];
	_ =	sdelay $0x4  }
0x55: {  	v9 =	vadd.s32 v0, v8;
	v10 =	vadd.s32 v6, v8;
	v11 =	vadd.s32 v7, v8  }
0x56: {  	v12 =	vadd.s32 v3, v8;
	v13 =	vadd.s32 v4, v8;
	v14 =	vadd.s32 v5, v8  }
0x57: {  	v16 =	vadd.s32 v1, v8;
	v15 =	vshra.s32 v9, $0x1F;
	v17 =	vshra.s32 v14, $0x1F  }
0x58: {  	v18 =	vshra.s32 v13, $0x1F;
	v19 =	vshra.s32 v11, $0x1F;
	v17 =	vshrl.u32 v17, $0x10  }
0x59: {  	v20 =	vshra.s32 v16, $0x1F;
	v21 =	vshra.s32 v10, $0x1F;
	v17 =	vadd.s32 v17, v14  }
0x5a: {  	v8 =	vadd.s32 v2, v8;
	v21 =	vshrl.u32 v21, $0x10;
	v17 =	vand.u32 $0xFFFF0000, v17  }
0x5b: {  	v22 =	vshra.s32 v8, $0x1F;
	v15 =	vshrl.u32 v15, $0x10;
	v18 =	vshrl.u32 v18, $0x10  }
0x5c: {  	v20 =	vshrl.u32 v20, $0x10;
	v14 =	vsub.s32 v14, v17;
	v17 =	vadd.s32 v21, v10  }
0x5d: {  	v15 =	vadd.s32 v15, v9;
	v20 =	vadd.s32 v20, v16;
	v17 =	vand.u32 $0xFFFF0000, v17  }
0x5e: {  	v15 =	vand.u32 $0xFFFF0000, v15;
	v20 =	vand.u32 $0xFFFF0000, v20;
	v21 =	vshrl.u32 v22, $0x10  }
0x5f: {  	v9 =	vsub.s32 v9, v15;
	v15 =	vadd.s32 v21, v8;
	[tilespmem:$0x110] =	vst v14;
	v14 =	vshrl.u32 v19, $0x10  }
0x60: {  	v10 =	vsub.s32 v10, v17;
	[tilespmem:$0x0] =	vst v9;
	v9 =	vand.u32 $0xFFFF0000, v15;
	v15 =	vshra.s32 v12, $0x1F  }
0x61: {  	v8 =	vsub.s32 v8, v9;
	v9 =	vshrl.u32 v15, $0x10;
	v15 =	vadd.s32 v18, v13;
	[tilespmem:$0x180] =	vst v10  }
0x62: {  	v14 =	vadd.s32 v14, v11;
	v10 =	vsub.s32 v16, v20;
	[tilespmem:$0x80] =	vst v8;
	v8 =	vand.u32 $0xFFFF0000, v15  }
0x63: {  	v9 =	vadd.s32 v9, v12;
	[tilespmem:$0x10] =	vst v10;
	v8 =	vsub.s32 v13, v8;
	v10 =	vand.u32 $0xFFFF0000, v14  }
0x64: {  	v9 =	vand.u32 $0xFFFF0000, v9;
	[tilespmem:$0x100] =	vst v8;
	v8 =	vsub.s32 v11, v10  }
0x65: {  	v9 =	vsub.s32 v12, v9;
	[tilespmem:$0x190] =	vst v8  }
0x66: {  	[tilespmem:$0x90] =	vst v9  }
0x67: {  	_ =	swait.ge [sflag:s15], $0x1000  }
.Ltmp1:
0x68: {  	[sflag:s15] =	ssyncset.done $0x0;
	(pc) =	sbr.rel @p0 .LBB2_1-.Ltmp1, $4  }
0x69: {  	[sflag:s15] =	ssyncadd.s32 $0xFFFFF000  }
0x6a: {  	[hbm4b:s2+s17] =	stream.indirect.scatter [tilespmem:s6], [sflag:$0x3], $0x80, s3, s17, $0xb8;
	[tilespmem:$0x4280] =	vst v63  }
0x6b: {  	_ =	swait.ge [sflag:s15], $0x1000  }
0x6c: {  	[sflag:s15] =	ssyncset.done $0x0  }
.LBB2_2:
0x6d: {  	[sflag:s15] =	ssyncadd.s32 $0xFFFFF000  }
0x6e: {  	[hbm4b:s2+s17] =	stream.indirect.scatter [tilespmem:s8], [sflag:$0x3], $0x80, s20, s17, $0xb8;
	[tilespmem:$0x4280] =	vst v63  }
0x6f: {  	_ =	swait.ge [sflag:s15], $0x1000  }
0x70: {  	[sflag:s15] =	ssyncset.done $0x0  }
0x71: {  	[sflag:s15] =	ssyncadd.s32 $0xFFFFF000  }
0x72: {  	[hbm4b:s2+s17] =	stream.indirect.scatter [tilespmem:s9], [sflag:$0x3], $0x80, s19, s17, $0xb8;
	[tilespmem:$0x4280] =	vst v63  }
0x73: {  	_ =	swait.ge [sflag:s15], $0x1000  }
0x74: {  	[sflag:s15] =	ssyncset.done $0x0  }
0x75: {  	[sflag:s15] =	ssyncadd.s32 $0xFFFFF000  }
0x76: {  	[hbm4b:s2+s17] =	stream.indirect.scatter [tilespmem:s7], [sflag:$0x3], $0x80, s18, s17, $0xb8;
	[tilespmem:$0x4280] =	vst v63  }
0x77: {  	_ =	swait.ge [sflag:s16], $0x1000  }
0x78: {  	[sflag:s16] =	ssyncset.done $0x0  }
0x79: {  	[sflag:s16] =	ssyncadd.s32 $0xFFFFF000  }
0x7a: {  	_ =	swait.ge [sflag:s16], $0x1000  }
0x7b: {  	[sflag:s16] =	ssyncset.done $0x0  }
0x7c: {  	[sflag:s16] =	ssyncadd.s32 $0xFFFFF000  }
0x7d: {  	_ =	swait.ge [sflag:s16], $0x1000  }
0x7e: {  	[sflag:s16] =	ssyncset.done $0x0  }
0x7f: {  	[sflag:s16] =	ssyncadd.s32 $0xFFFFF000  }
0x80: {  	_ =	swait.ge [sflag:s16], $0x1000  }
0x81: {  	[sflag:s16] =	ssyncset.done $0x0  }
0x82: {  	[sflag:s16] =	ssyncadd.s32 $0xFFFFF000  }
0x83: {  	_ =	sfence.sel $0x180000  }
0x84: {  	[bflag:$0x0] =	sbarrier.arrive $0xFFFF  }
0x85: {  	p0 =	sne.s32 s0, $0x0;
	_ =	strace $0x90000047  }
0x86: {  	s0 =	sadd.s32 @!p0 $0x100000, s1;
	[bflag:$0x2] =	sbarrier.arrive $0xFFFF  }
0x87: {  	[sflag:s0] =	ssyncadd.tile.s32 @!p0 $0x1;
	_ =	shalt  }
.Lfunc_end2:
_tile_overlayer_lowered:
.L_overlay_start_2:
0x88: {  	(tag) =	ssettag $0x2  }
0x89: {  	s0 =	rddreg [dreg:$0x0];
	s2 =	stileid.u32  }
0x8a: {  	s1 =	rddreg [dreg:$0x1];
	p0 =	sne.s32 s2, $0x0  }
0x8b: {  	s3 =	rddreg [dreg:$0x2];
	[bflag:$0x3] =	sbarrier.arrive $0xFFFF;
	s2 =	simm.s32 @!p0 $0x1C04  }
0x8c: {  	[timem:s3], [sflag:s2] =	dma.local @!p0 [hbm:s0], s1  }
0x8d: {  	s0 =	simm.s32 @!p0 $0x4  }
0x8e: {  	_ =	swait.ge @!p0 [sflag:s0], s1  }
0x8f: {  	s1 =	ssub.s32 @!p0 $0x0, s1;
	[sflag:s0] =	ssyncset.done @!p0 $0x0  }
0x90: {  	[sflag:s0] =	ssyncadd.s32 @!p0 s1  }
0x91: {  	[bflag:$0x3] =	sbarrier.arrive $0xFFFF  }
0x92: {  	_ =	shalt  }

</sc_bundles>
